<compile_context>
chip_gen: v7x
topology: tpu7x:2x2x1
jax: 0.10.2.dev20260603
libtpu: 0.0.44.dev20260713+nightly
codegen_flags: <defaults>
</compile_context>

<pallas_src>
import functools

import jax
import jax.numpy as jnp
from jax import lax
from jax.experimental import pallas as pl
from jax.experimental.pallas import tpu as pltpu
from jax.experimental.pallas import tpu_sc as plsc

D_MODEL = 1024
BATCH = 4
SEQ = 2048
B = BATCH * SEQ

_NC = 2
_NS = 16
_NW = _NC * _NS
_BPW = B // _NW
_WPR = SEQ // _BPW
_CHUNKS = (96, 96, 64)
_BUFROWS = max(_CHUNKS)

_mesh = plsc.VectorSubcoreMesh(core_axis_name="c", subcore_axis_name="s")


@functools.partial(
    pl.kernel,
    mesh=_mesh,
    out_type=jax.ShapeDtypeStruct((B, D_MODEL), jnp.float32),
    scratch_types=[
        pltpu.VMEM((_BPW,), jnp.int32),
        pltpu.VMEM((_BUFROWS, D_MODEL), jnp.float32),
        pltpu.SemaphoreType.DMA,
        pltpu.SemaphoreType.DMA,
    ],
)
def _embed_sc(ids_hbm, table_hbm, out_hbm, idx_v, rows_v, gsem, osem):
    wid = lax.axis_index("s") * _NC + lax.axis_index("c")
    base = wid * _BPW
    row = wid // _WPR
    col = (wid % _WPR) * _BPW
    pltpu.sync_copy(ids_hbm.at[row, pl.ds(col, _BPW)], idx_v)

    off = 0
    last_put = None
    for c in _CHUNKS:
        if last_put is not None:
            last_put.wait()
        pltpu.async_copy(
            table_hbm.at[idx_v.at[pl.ds(off, c)]], rows_v.at[pl.ds(0, c)], gsem
        ).wait()
        last_put = pltpu.async_copy(
            rows_v.at[pl.ds(0, c)], out_hbm.at[pl.ds(base + off, c)], osem
        )
        off += c
    last_put.wait()


def kernel(text_ids, table):
    out = _embed_sc(text_ids.astype(jnp.int32), table)
    return out.reshape(BATCH, SEQ, D_MODEL)

# --- scband reference (transcript-rebuilt; emitter-appended) ---
"""Pipeline reference for scband-voxcpm-text-embed-47296179864179 (READ-ONLY COPY).

The authoritative reference and input builder live on the scoring server;
editing this copy changes nothing except your own understanding.
"""

import jax, jax.numpy as jnp
import numpy as np

VOCAB = 100000
D_MODEL = 1024
BATCH = 4
SEQ = 2048


def setup_inputs(seed: int = 0) -> dict:
    key = jax.random.key(seed)
    k_ids, k_tab = jax.random.split(key)
    text_ids = jax.random.randint(k_ids, (BATCH, SEQ), 0, VOCAB, dtype=jnp.int64 if jax.config.jax_enable_x64 else jnp.int32)
    table = jax.random.normal(k_tab, (VOCAB, D_MODEL), dtype=jnp.float32) * 0.02
    return {"text_ids": text_ids, "table": table}


def reference(text_ids, table):
    # Faithful translation of voxcpm.base_lm.embed_tokens(text_ids):
    # a standard nn.Embedding row-gather.
    text_embed = jnp.take(table, text_ids, axis=0)
    return text_embed

if __name__ == "__main__":
    import jax
    _d = setup_inputs()
    print(jax.jit(kernel)(*tuple(_d.values())))

</pallas_src>

<mosaic_0001>
#map = affine_map<(d0, d1) -> (0, 0)>
module attributes {stable_mosaic.version = 14 : i64} {
  func.func @_embed_sc(%arg0: i32, %arg1: i32, %arg2: memref<4x2048xi32, #tpu.memory_space<hbm>>, %arg3: memref<100000x1024xf32, #tpu.memory_space<hbm>>, %arg4: memref<8192x1024xf32, #tpu.memory_space<hbm>>, %arg5: memref<256xi32, #tpu.memory_space<vmem>>, %arg6: memref<96x1024xf32, #tpu.memory_space<vmem>>, %arg7: memref<!tpu.dma_semaphore, #tpu.memory_space<semaphore_mem>>, %arg8: memref<!tpu.dma_semaphore, #tpu.memory_space<semaphore_mem>>) attributes {dimension_semantics = [#tpu.dimension_semantics<core_parallel>, #tpu.dimension_semantics<subcore_parallel>], iteration_bounds = array<i64: 2, 16>, scalar_prefetch = 0 : i64, scratch_operands = 4 : i64, tpu.core_type = #tpu.core_type<sc_vector_subcore>, window_params = [{transform_indices = #map}, {transform_indices = #map}, {transform_indices = #map}]} {
    %mul3A = arith.constant 2 : i32
    %mul3A_0 = arith.muli %arg1, %mul3A : i32
    %add3A = arith.addi %mul3A_0, %arg0 : i32
    %mul3A_1 = arith.constant 256 : i32
    %mul3A_2 = arith.muli %add3A, %mul3A_1 : i32
    %jit3A = arith.constant 8 : i32
    %div3A = arith.divsi %add3A, %jit3A : i32
    %sign3A = arith.constant 0 : i32
    %sign3A_3 = arith.cmpi sgt, %add3A, %sign3A : i32
    %sign3A_4 = arith.extui %sign3A_3 : i1 to i32
    %sign3A_5 = arith.constant 0 : i32
    %sign3A_6 = arith.cmpi slt, %add3A, %sign3A_5 : i32
    %sign3A_7 = arith.extui %sign3A_6 : i1 to i32
    %sign3A_8 = arith.subi %sign3A_4, %sign3A_7 : i32
    %sign3A_9 = arith.constant 0 : i32
    %sign3A_10 = arith.cmpi sgt, %jit3A, %sign3A_9 : i32
    %sign3A_11 = arith.extui %sign3A_10 : i1 to i32
    %sign3A_12 = arith.constant 0 : i32
    %sign3A_13 = arith.cmpi slt, %jit3A, %sign3A_12 : i32
    %sign3A_14 = arith.extui %sign3A_13 : i1 to i32
    %sign3A_15 = arith.subi %sign3A_11, %sign3A_14 : i32
    %ne3A = arith.cmpi ne, %sign3A_8, %sign3A_15 : i32
    %rem3A = arith.remsi %add3A, %jit3A : i32
    %ne3A_16 = arith.constant 0 : i32
    %ne3A_17 = arith.cmpi ne, %rem3A, %ne3A_16 : i32
    %and3A = arith.andi %ne3A, %ne3A_17 : i1
    %sub3A = arith.constant 1 : i32
    %sub3A_18 = arith.subi %div3A, %sub3A : i32
    %select_n3A = arith.select %and3A, %sub3A_18, %div3A : i32
    %jit3A_19 = arith.constant 8 : i32
    %eq3A = arith.constant 0 : i32
    %eq3A_20 = arith.cmpi eq, %jit3A_19, %eq3A : i32
    %jit3A_21 = arith.constant 1 : i32
    %select_n3A_22 = arith.select %eq3A_20, %jit3A_21, %jit3A_19 : i32
    %rem3A_23 = arith.remsi %add3A, %select_n3A_22 : i32
    %ne3A_24 = arith.constant 0 : i32
    %ne3A_25 = arith.cmpi ne, %rem3A_23, %ne3A_24 : i32
    %lt3A = arith.constant 0 : i32
    %lt3A_26 = arith.cmpi slt, %rem3A_23, %lt3A : i32
    %lt3A_27 = arith.constant 0 : i32
    %lt3A_28 = arith.cmpi slt, %select_n3A_22, %lt3A_27 : i32
    %ne3A_29 = arith.xori %lt3A_26, %lt3A_28 : i1
    %and3A_30 = arith.andi %ne3A_29, %ne3A_25 : i1
    %add3A_31 = arith.addi %rem3A_23, %select_n3A_22 : i32
    %select_n3A_32 = arith.select %and3A_30, %add3A_31, %rem3A_23 : i32
    %mul3A_33 = arith.constant 256 : i32
    %mul3A_34 = arith.muli %select_n3A_32, %mul3A_33 : i32
    "tpu.region"() ({
      %run_scoped3A = tpu.sem_alloc : memref<!tpu.dma_semaphore, #tpu.memory_space<semaphore_mem>>
      %dma_start3A_147 = tpu.memref_slice %arg2[%select_n3A, %mul3A_34] : memref<4x2048xi32, #tpu.memory_space<hbm>> -> memref<1x256xi32, #tpu.memory_space<hbm>>
      %dma_start3A_148 = tpu.memref_squeeze %dma_start3A_147 : memref<1x256xi32, #tpu.memory_space<hbm>> -> memref<256xi32, #tpu.memory_space<hbm>>
      %dma_start3A_149 = tpu.memref_slice %arg2[%select_n3A, %mul3A_34] : memref<4x2048xi32, #tpu.memory_space<hbm>> -> memref<1x256xi32, #tpu.memory_space<hbm>>
      %dma_start3A_150 = tpu.memref_squeeze %dma_start3A_149 : memref<1x256xi32, #tpu.memory_space<hbm>> -> memref<256xi32, #tpu.memory_space<hbm>>
      tpu.enqueue_dma source(%dma_start3A_150 : memref<256xi32, #tpu.memory_space<hbm>>) target(%arg5 : memref<256xi32, #tpu.memory_space<vmem>>) target_semaphore(%run_scoped3A : memref<!tpu.dma_semaphore, #tpu.memory_space<semaphore_mem>>)
      %dma_wait3A_151 = tpu.memref_slice %arg2[%select_n3A, %mul3A_34] : memref<4x2048xi32, #tpu.memory_space<hbm>> -> memref<1x256xi32, #tpu.memory_space<hbm>>
      %dma_wait3A_152 = tpu.memref_squeeze %dma_wait3A_151 : memref<1x256xi32, #tpu.memory_space<hbm>> -> memref<256xi32, #tpu.memory_space<hbm>>
      %dma_wait3A_153 = tpu.memref_slice %arg2[%select_n3A, %mul3A_34] : memref<4x2048xi32, #tpu.memory_space<hbm>> -> memref<1x256xi32, #tpu.memory_space<hbm>>
      %dma_wait3A_154 = tpu.memref_squeeze %dma_wait3A_153 : memref<1x256xi32, #tpu.memory_space<hbm>> -> memref<256xi32, #tpu.memory_space<hbm>>
      tpu.wait_dma2 semaphore(%run_scoped3A : memref<!tpu.dma_semaphore, #tpu.memory_space<semaphore_mem>>) src(%dma_wait3A_154 : memref<256xi32, #tpu.memory_space<hbm>>) dst(%arg5 : memref<256xi32, #tpu.memory_space<vmem>>)
      tpu.yield
    }) : () -> ()
    %dma_start3A = arith.constant 0 : i32
    %dma_start3A_35 = arith.constant 0 : i32
    %dma_start3A_36 = tpu.memref_slice %arg6[%dma_start3A, %dma_start3A_35] : memref<96x1024xf32, #tpu.memory_space<vmem>> -> memref<96x1024xf32, #tpu.memory_space<vmem>>
    %dma_start3A_37 = arith.constant 0 : i32
    %dma_start3A_38 = tpu.memref_slice %arg5[%dma_start3A_37] : memref<256xi32, #tpu.memory_space<vmem>> -> memref<96xi32, #tpu.memory_space<vmem>>
    %dma_start3A_39 = arith.constant 0 : i32
    %dma_start3A_40 = arith.constant 0 : i32
    %dma_start3A_41 = tpu.memref_slice %arg3[%dma_start3A_39, %dma_start3A_40] : memref<100000x1024xf32, #tpu.memory_space<hbm>> -> memref<100000x1024xf32, #tpu.memory_space<hbm>>
    tpu.enqueue_indirect_dma source(%dma_start3A_41 : memref<100000x1024xf32, #tpu.memory_space<hbm>>) target(%dma_start3A_36 : memref<96x1024xf32, #tpu.memory_space<vmem>>) offsets(%dma_start3A_38 : memref<96xi32, #tpu.memory_space<vmem>>) semaphore(%arg7 : memref<!tpu.dma_semaphore, #tpu.memory_space<semaphore_mem>>)
    %dma_wait3A = arith.constant 0 : i32
    %dma_wait3A_42 = arith.constant 0 : i32
    %dma_wait3A_43 = tpu.memref_slice %arg6[%dma_wait3A, %dma_wait3A_42] : memref<96x1024xf32, #tpu.memory_space<vmem>> -> memref<96x1024xf32, #tpu.memory_space<vmem>>
    %dma_wait3A_44 = arith.constant 0 : i32
    %dma_wait3A_45 = tpu.memref_slice %arg5[%dma_wait3A_44] : memref<256xi32, #tpu.memory_space<vmem>> -> memref<96xi32, #tpu.memory_space<vmem>>
    %dma_wait3A_46 = arith.constant 0 : i32
    %dma_wait3A_47 = arith.constant 0 : i32
    %dma_wait3A_48 = tpu.memref_slice %arg3[%dma_wait3A_46, %dma_wait3A_47] : memref<100000x1024xf32, #tpu.memory_space<hbm>> -> memref<100000x1024xf32, #tpu.memory_space<hbm>>
    tpu.wait_indirect_dma semaphore(%arg7 : memref<!tpu.dma_semaphore, #tpu.memory_space<semaphore_mem>>) src(%dma_wait3A_48 : memref<100000x1024xf32, #tpu.memory_space<hbm>>) dst(%dma_wait3A_43 : memref<96x1024xf32, #tpu.memory_space<vmem>>)
    %add3A_49 = arith.constant 0 : i32
    %add3A_50 = arith.addi %mul3A_2, %add3A_49 : i32
    %dma_start3A_51 = arith.constant 0 : i32
    %dma_start3A_52 = arith.constant 0 : i32
    %dma_start3A_53 = tpu.memref_slice %arg6[%dma_start3A_51, %dma_start3A_52] : memref<96x1024xf32, #tpu.memory_space<vmem>> -> memref<96x1024xf32, #tpu.memory_space<vmem>>
    %dma_start3A_54 = arith.constant 0 : i32
    %dma_start3A_55 = tpu.memref_slice %arg4[%add3A_50, %dma_start3A_54] : memref<8192x1024xf32, #tpu.memory_space<hbm>> -> memref<96x1024xf32, #tpu.memory_space<hbm>>
    %dma_start3A_56 = arith.constant 0 : i32
    %dma_start3A_57 = tpu.memref_slice %arg4[%add3A_50, %dma_start3A_56] : memref<8192x1024xf32, #tpu.memory_space<hbm>> -> memref<96x1024xf32, #tpu.memory_space<hbm>>
    %dma_start3A_58 = arith.constant 0 : i32
    %dma_start3A_59 = arith.constant 0 : i32
    %dma_start3A_60 = tpu.memref_slice %arg6[%dma_start3A_58, %dma_start3A_59] : memref<96x1024xf32, #tpu.memory_space<vmem>> -> memref<96x1024xf32, #tpu.memory_space<vmem>>
    tpu.enqueue_dma source(%dma_start3A_60 : memref<96x1024xf32, #tpu.memory_space<vmem>>) target(%dma_start3A_57 : memref<96x1024xf32, #tpu.memory_space<hbm>>) target_semaphore(%arg8 : memref<!tpu.dma_semaphore, #tpu.memory_space<semaphore_mem>>)
    %dma_wait3A_61 = arith.constant 0 : i32
    %dma_wait3A_62 = arith.constant 0 : i32
    %dma_wait3A_63 = tpu.memref_slice %arg6[%dma_wait3A_61, %dma_wait3A_62] : memref<96x1024xf32, #tpu.memory_space<vmem>> -> memref<96x1024xf32, #tpu.memory_space<vmem>>
    %dma_wait3A_64 = arith.constant 0 : i32
    %dma_wait3A_65 = tpu.memref_slice %arg4[%add3A_50, %dma_wait3A_64] : memref<8192x1024xf32, #tpu.memory_space<hbm>> -> memref<96x1024xf32, #tpu.memory_space<hbm>>
    %dma_wait3A_66 = arith.constant 0 : i32
    %dma_wait3A_67 = tpu.memref_slice %arg4[%add3A_50, %dma_wait3A_66] : memref<8192x1024xf32, #tpu.memory_space<hbm>> -> memref<96x1024xf32, #tpu.memory_space<hbm>>
    %dma_wait3A_68 = arith.constant 0 : i32
    %dma_wait3A_69 = arith.constant 0 : i32
    %dma_wait3A_70 = tpu.memref_slice %arg6[%dma_wait3A_68, %dma_wait3A_69] : memref<96x1024xf32, #tpu.memory_space<vmem>> -> memref<96x1024xf32, #tpu.memory_space<vmem>>
    tpu.wait_dma2 semaphore(%arg8 : memref<!tpu.dma_semaphore, #tpu.memory_space<semaphore_mem>>) src(%dma_wait3A_70 : memref<96x1024xf32, #tpu.memory_space<vmem>>) dst(%dma_wait3A_67 : memref<96x1024xf32, #tpu.memory_space<hbm>>)
    %dma_start3A_71 = arith.constant 0 : i32
    %dma_start3A_72 = arith.constant 0 : i32
    %dma_start3A_73 = tpu.memref_slice %arg6[%dma_start3A_71, %dma_start3A_72] : memref<96x1024xf32, #tpu.memory_space<vmem>> -> memref<96x1024xf32, #tpu.memory_space<vmem>>
    %dma_start3A_74 = arith.constant 96 : i32
    %dma_start3A_75 = tpu.memref_slice %arg5[%dma_start3A_74] : memref<256xi32, #tpu.memory_space<vmem>> -> memref<96xi32, #tpu.memory_space<vmem>>
    %dma_start3A_76 = arith.constant 0 : i32
    %dma_start3A_77 = arith.constant 0 : i32
    %dma_start3A_78 = tpu.memref_slice %arg3[%dma_start3A_76, %dma_start3A_77] : memref<100000x1024xf32, #tpu.memory_space<hbm>> -> memref<100000x1024xf32, #tpu.memory_space<hbm>>
    tpu.enqueue_indirect_dma source(%dma_start3A_78 : memref<100000x1024xf32, #tpu.memory_space<hbm>>) target(%dma_start3A_73 : memref<96x1024xf32, #tpu.memory_space<vmem>>) offsets(%dma_start3A_75 : memref<96xi32, #tpu.memory_space<vmem>>) semaphore(%arg7 : memref<!tpu.dma_semaphore, #tpu.memory_space<semaphore_mem>>)
    %dma_wait3A_79 = arith.constant 0 : i32
    %dma_wait3A_80 = arith.constant 0 : i32
    %dma_wait3A_81 = tpu.memref_slice %arg6[%dma_wait3A_79, %dma_wait3A_80] : memref<96x1024xf32, #tpu.memory_space<vmem>> -> memref<96x1024xf32, #tpu.memory_space<vmem>>
    %dma_wait3A_82 = arith.constant 96 : i32
    %dma_wait3A_83 = tpu.memref_slice %arg5[%dma_wait3A_82] : memref<256xi32, #tpu.memory_space<vmem>> -> memref<96xi32, #tpu.memory_space<vmem>>
    %dma_wait3A_84 = arith.constant 0 : i32
    %dma_wait3A_85 = arith.constant 0 : i32
    %dma_wait3A_86 = tpu.memref_slice %arg3[%dma_wait3A_84, %dma_wait3A_85] : memref<100000x1024xf32, #tpu.memory_space<hbm>> -> memref<100000x1024xf32, #tpu.memory_space<hbm>>
    tpu.wait_indirect_dma semaphore(%arg7 : memref<!tpu.dma_semaphore, #tpu.memory_space<semaphore_mem>>) src(%dma_wait3A_86 : memref<100000x1024xf32, #tpu.memory_space<hbm>>) dst(%dma_wait3A_81 : memref<96x1024xf32, #tpu.memory_space<vmem>>)
    %add3A_87 = arith.constant 96 : i32
    %add3A_88 = arith.addi %mul3A_2, %add3A_87 : i32
    %dma_start3A_89 = arith.constant 0 : i32
    %dma_start3A_90 = arith.constant 0 : i32
    %dma_start3A_91 = tpu.memref_slice %arg6[%dma_start3A_89, %dma_start3A_90] : memref<96x1024xf32, #tpu.memory_space<vmem>> -> memref<96x1024xf32, #tpu.memory_space<vmem>>
    %dma_start3A_92 = arith.constant 0 : i32
    %dma_start3A_93 = tpu.memref_slice %arg4[%add3A_88, %dma_start3A_92] : memref<8192x1024xf32, #tpu.memory_space<hbm>> -> memref<96x1024xf32, #tpu.memory_space<hbm>>
    %dma_start3A_94 = arith.constant 0 : i32
    %dma_start3A_95 = tpu.memref_slice %arg4[%add3A_88, %dma_start3A_94] : memref<8192x1024xf32, #tpu.memory_space<hbm>> -> memref<96x1024xf32, #tpu.memory_space<hbm>>
    %dma_start3A_96 = arith.constant 0 : i32
    %dma_start3A_97 = arith.constant 0 : i32
    %dma_start3A_98 = tpu.memref_slice %arg6[%dma_start3A_96, %dma_start3A_97] : memref<96x1024xf32, #tpu.memory_space<vmem>> -> memref<96x1024xf32, #tpu.memory_space<vmem>>
    tpu.enqueue_dma source(%dma_start3A_98 : memref<96x1024xf32, #tpu.memory_space<vmem>>) target(%dma_start3A_95 : memref<96x1024xf32, #tpu.memory_space<hbm>>) target_semaphore(%arg8 : memref<!tpu.dma_semaphore, #tpu.memory_space<semaphore_mem>>)
    %dma_wait3A_99 = arith.constant 0 : i32
    %dma_wait3A_100 = arith.constant 0 : i32
    %dma_wait3A_101 = tpu.memref_slice %arg6[%dma_wait3A_99, %dma_wait3A_100] : memref<96x1024xf32, #tpu.memory_space<vmem>> -> memref<96x1024xf32, #tpu.memory_space<vmem>>
    %dma_wait3A_102 = arith.constant 0 : i32
    %dma_wait3A_103 = tpu.memref_slice %arg4[%add3A_88, %dma_wait3A_102] : memref<8192x1024xf32, #tpu.memory_space<hbm>> -> memref<96x1024xf32, #tpu.memory_space<hbm>>
    %dma_wait3A_104 = arith.constant 0 : i32
    %dma_wait3A_105 = tpu.memref_slice %arg4[%add3A_88, %dma_wait3A_104] : memref<8192x1024xf32, #tpu.memory_space<hbm>> -> memref<96x1024xf32, #tpu.memory_space<hbm>>
    %dma_wait3A_106 = arith.constant 0 : i32
    %dma_wait3A_107 = arith.constant 0 : i32
    %dma_wait3A_108 = tpu.memref_slice %arg6[%dma_wait3A_106, %dma_wait3A_107] : memref<96x1024xf32, #tpu.memory_space<vmem>> -> memref<96x1024xf32, #tpu.memory_space<vmem>>
    tpu.wait_dma2 semaphore(%arg8 : memref<!tpu.dma_semaphore, #tpu.memory_space<semaphore_mem>>) src(%dma_wait3A_108 : memref<96x1024xf32, #tpu.memory_space<vmem>>) dst(%dma_wait3A_105 : memref<96x1024xf32, #tpu.memory_space<hbm>>)
    %dma_start3A_109 = arith.constant 0 : i32
    %dma_start3A_110 = arith.constant 0 : i32
    %dma_start3A_111 = tpu.memref_slice %arg6[%dma_start3A_109, %dma_start3A_110] : memref<96x1024xf32, #tpu.memory_space<vmem>> -> memref<64x1024xf32, #tpu.memory_space<vmem>>
    %dma_start3A_112 = arith.constant 192 : i32
    %dma_start3A_113 = tpu.memref_slice %arg5[%dma_start3A_112] : memref<256xi32, #tpu.memory_space<vmem>> -> memref<64xi32, #tpu.memory_space<vmem>>
    %dma_start3A_114 = arith.constant 0 : i32
    %dma_start3A_115 = arith.constant 0 : i32
    %dma_start3A_116 = tpu.memref_slice %arg3[%dma_start3A_114, %dma_start3A_115] : memref<100000x1024xf32, #tpu.memory_space<hbm>> -> memref<100000x1024xf32, #tpu.memory_space<hbm>>
    tpu.enqueue_indirect_dma source(%dma_start3A_116 : memref<100000x1024xf32, #tpu.memory_space<hbm>>) target(%dma_start3A_111 : memref<64x1024xf32, #tpu.memory_space<vmem>>) offsets(%dma_start3A_113 : memref<64xi32, #tpu.memory_space<vmem>>) semaphore(%arg7 : memref<!tpu.dma_semaphore, #tpu.memory_space<semaphore_mem>>)
    %dma_wait3A_117 = arith.constant 0 : i32
    %dma_wait3A_118 = arith.constant 0 : i32
    %dma_wait3A_119 = tpu.memref_slice %arg6[%dma_wait3A_117, %dma_wait3A_118] : memref<96x1024xf32, #tpu.memory_space<vmem>> -> memref<64x1024xf32, #tpu.memory_space<vmem>>
    %dma_wait3A_120 = arith.constant 192 : i32
    %dma_wait3A_121 = tpu.memref_slice %arg5[%dma_wait3A_120] : memref<256xi32, #tpu.memory_space<vmem>> -> memref<64xi32, #tpu.memory_space<vmem>>
    %dma_wait3A_122 = arith.constant 0 : i32
    %dma_wait3A_123 = arith.constant 0 : i32
    %dma_wait3A_124 = tpu.memref_slice %arg3[%dma_wait3A_122, %dma_wait3A_123] : memref<100000x1024xf32, #tpu.memory_space<hbm>> -> memref<100000x1024xf32, #tpu.memory_space<hbm>>
    tpu.wait_indirect_dma semaphore(%arg7 : memref<!tpu.dma_semaphore, #tpu.memory_space<semaphore_mem>>) src(%dma_wait3A_124 : memref<100000x1024xf32, #tpu.memory_space<hbm>>) dst(%dma_wait3A_119 : memref<64x1024xf32, #tpu.memory_space<vmem>>)
    %add3A_125 = arith.constant 192 : i32
    %add3A_126 = arith.addi %mul3A_2, %add3A_125 : i32
    %dma_start3A_127 = arith.constant 0 : i32
    %dma_start3A_128 = arith.constant 0 : i32
    %dma_start3A_129 = tpu.memref_slice %arg6[%dma_start3A_127, %dma_start3A_128] : memref<96x1024xf32, #tpu.memory_space<vmem>> -> memref<64x1024xf32, #tpu.memory_space<vmem>>
    %dma_start3A_130 = arith.constant 0 : i32
    %dma_start3A_131 = tpu.memref_slice %arg4[%add3A_126, %dma_start3A_130] : memref<8192x1024xf32, #tpu.memory_space<hbm>> -> memref<64x1024xf32, #tpu.memory_space<hbm>>
    %dma_start3A_132 = arith.constant 0 : i32
    %dma_start3A_133 = tpu.memref_slice %arg4[%add3A_126, %dma_start3A_132] : memref<8192x1024xf32, #tpu.memory_space<hbm>> -> memref<64x1024xf32, #tpu.memory_space<hbm>>
    %dma_start3A_134 = arith.constant 0 : i32
    %dma_start3A_135 = arith.constant 0 : i32
    %dma_start3A_136 = tpu.memref_slice %arg6[%dma_start3A_134, %dma_start3A_135] : memref<96x1024xf32, #tpu.memory_space<vmem>> -> memref<64x1024xf32, #tpu.memory_space<vmem>>
    tpu.enqueue_dma source(%dma_start3A_136 : memref<64x1024xf32, #tpu.memory_space<vmem>>) target(%dma_start3A_133 : memref<64x1024xf32, #tpu.memory_space<hbm>>) target_semaphore(%arg8 : memref<!tpu.dma_semaphore, #tpu.memory_space<semaphore_mem>>)
    %dma_wait3A_137 = arith.constant 0 : i32
    %dma_wait3A_138 = arith.constant 0 : i32
    %dma_wait3A_139 = tpu.memref_slice %arg6[%dma_wait3A_137, %dma_wait3A_138] : memref<96x1024xf32, #tpu.memory_space<vmem>> -> memref<64x1024xf32, #tpu.memory_space<vmem>>
    %dma_wait3A_140 = arith.constant 0 : i32
    %dma_wait3A_141 = tpu.memref_slice %arg4[%add3A_126, %dma_wait3A_140] : memref<8192x1024xf32, #tpu.memory_space<hbm>> -> memref<64x1024xf32, #tpu.memory_space<hbm>>
    %dma_wait3A_142 = arith.constant 0 : i32
    %dma_wait3A_143 = tpu.memref_slice %arg4[%add3A_126, %dma_wait3A_142] : memref<8192x1024xf32, #tpu.memory_space<hbm>> -> memref<64x1024xf32, #tpu.memory_space<hbm>>
    %dma_wait3A_144 = arith.constant 0 : i32
    %dma_wait3A_145 = arith.constant 0 : i32
    %dma_wait3A_146 = tpu.memref_slice %arg6[%dma_wait3A_144, %dma_wait3A_145] : memref<96x1024xf32, #tpu.memory_space<vmem>> -> memref<64x1024xf32, #tpu.memory_space<vmem>>
    tpu.wait_dma2 semaphore(%arg8 : memref<!tpu.dma_semaphore, #tpu.memory_space<semaphore_mem>>) src(%dma_wait3A_146 : memref<64x1024xf32, #tpu.memory_space<vmem>>) dst(%dma_wait3A_143 : memref<64x1024xf32, #tpu.memory_space<hbm>>)
    return
  }
}

</mosaic_0001>

<sc_bundles>
// kernel: kernel.3.cloned.1.call-start
scs
__scs_entry_jumppad:
0x0: {  	(pc) =	sbr.rel $0x88, $3  }
0x1: {  	(tag) =	ssettag $0x0;
	lr =	simm.s32 $0x1  }
0x2: {  	[smem:$0x3F9F] =	sst lr;
	_ =	strace $0xD0000000  }
0x3: {  	_ = 	snop  }
0x4: {  	_ = 	snop  }
0x5: {  	_ = 	snop  }
0x6: {  	_ = 	snop  }
0x7: {  	_ = 	snop  }
__scs_overlays_trampoline_lowered:
0x8: {  	[smem:$0x3FAE] =	sst s0  }
0x9: {  	[smem:$0x3FAF] =	sst s1  }
0xa: {  	[smem:$0x3FB0] =	sst s2  }
0xb: {  	[smem:$0x3FB1] =	sst s3  }
0xc: {  	[smem:$0x3FB2] =	sst s4  }
0xd: {  	[smem:$0x3FB3] =	sst s5  }
0xe: {  	[smem:$0x3FB4] =	sst s6  }
0xf: {  	[smem:$0x3FB5] =	sst s7  }
0x10: {  	[smem:$0x3FB6] =	sst s8  }
0x11: {  	[smem:$0x3FB7] =	sst s9;
	s0 =	simm.s32 @!p0 $0x0  }
0x12: {  	s1 =	sld [smem:$0x3F9D];
	s0 =	simm.s32 @p0 $0x1  }
0x13: {  	[smem:$0x3FB8] =	sst s0;
	s0 =	simm.s32 @!p1 $0x0  }
0x14: {  	s2 =	sld [smem:$0x3F9C];
	s0 =	simm.s32 @p1 $0x1  }
0x15: {  	[smem:$0x3FB9] =	sst s0;
	s0 =	simm.s32 @!p2 $0x0  }
0x16: {  	s3 =	sld [smem:$0x3FDB];
	s0 =	simm.s32 @p2 $0x1  }
0x17: {  	s4 =	simm.s32 $0x1BF5;
	[smem:$0x3FBB] =	sst s0  }
0x18: {  	s0 =	sld [smem:$0x3F9E];
	_ =	swait.ge [sflag:s4], $0x0  }
0x19: {  	s7 =	sld [smem:$0x3F9F]  }
0x1a: {  	s8 =	sadd.s32 $0xFFFFE003, lr  }
0x1b: {  	s9 =	sadd.s32 $0xFFFFFEF7, lr;
	s5 =	simm.s32 $0xFFFFFFFF;
	p2 =	slt.u32 s8, $0xFFFFF086  }
0x1c: {  	p1 =	slt.u32 s9, $0xF7A;
	s5 =	simm.s32 @!p2 $0x0  }
0x1d: {  	s5 =	simm.s32 @p1 $0x1;
	p0 =	seq.s32 s7, s2  }
0x1e: {  	s7 =	smul.u32 @!p0 $0xF7A, s2;
	p2 =	seq.s32 @!p0 s5, $0x0  }
0x1f: {  	s9 =	smul.u32 $0xF7A, s1;
	s8 =	simm.s32 @!p0 $0x1BF5;
	p2 =	por !p2, p0  }
0x20: {  	[sflag:s8] =	ssyncset.s32 @!p0 $0xFFFFF086;
	s6 =	sadd.s32 @!p0 s3, s7;
	s7 =	simm.s32 @!p0 $0x108  }
0x21: {  	s3 =	sadd.s32 s3, s9;
	s6 =	sadd.s32 @!p0 $0x88, s6;
	s7 =	simm.s32 @p2 $0x1082  }
0x22: {  	[simem:s7], [sflag:s8] =	dma.local @!p0 [hbm:s6], $0xF7A  }
0x23: {  	s9 =	sor.u32 $0xD0000000, s2;
	s6 =	simm.s32 $0x108;
	_ =	swait.ge @!p0 [sflag:s8], $0x0  }
0x24: {  	s3 =	sadd.s32 $0x88, s3;
	s6 =	simm.s32 @!p1 $0x1082;
	[sflag:s4] =	ssyncset.s32 $0xFFFFF086  }
0x25: {  	[simem:s6], [sflag:s4] =	dma.local [hbm:s3], $0xF7A  }
0x26: {  	[smem:$0x3F9F] =	sst s1;
	(tag) =	ssettag s2;
	_ =	strace s9  }
0x27: {  	s1 =	sld [smem:$0x3FAF]  }
0x28: {  	s2 =	sld [smem:$0x3FB0]  }
0x29: {  	s4 =	sld [smem:$0x3FB2]  }
0x2a: {  	p0 =	seq.s32 s5, $0x0;
	s5 =	sld [smem:$0x3FB3]  }
0x2b: {  	s6 =	sld [smem:$0x3FB4]  }
0x2c: {  	s7 =	sld [smem:$0x3FB5]  }
0x2d: {  	s3 =	simm.s32 $0x108;
	s8 =	sld [smem:$0x3FB6]  }
0x2e: {  	s3 =	simm.s32 @!p0 $0x1082;
	s9 =	sld [smem:$0x3FB7]  }
0x2f: {  	lr =	sadd.s32 s0, s3;
	s0 =	sld [smem:$0x3FAE]  }
0x30: {  	s3 =	sld [smem:$0x3FB1]  }
0x31: {  	[smem:$0x3FBA] =	sst s10  }
0x32: {  	s10 =	sld [smem:$0x3FB8];
	_ =	sdelay $0x3  }
0x33: {  	p0 =	seq.s32 s10, $0x1;
	s10 =	sld [smem:$0x3FBA];
	_ =	sdelay $0x3  }
0x34: {  	[smem:$0x3FBA] =	sst s10  }
0x35: {  	s10 =	sld [smem:$0x3FB9];
	_ =	sdelay $0x3  }
0x36: {  	p1 =	seq.s32 s10, $0x1;
	s10 =	sld [smem:$0x3FBA];
	_ =	sdelay $0x3  }
0x37: {  	[smem:$0x3FBA] =	sst s10  }
0x38: {  	s10 =	sld [smem:$0x3FBB]  }
0x39: {  	_ = 	snop;
	(pc) =	sbr.ind lr, $3  }
0x3a: {  	_ = 	snop  }
0x3b: {  	_ = 	snop  }
0x3c: {  	p2 =	seq.s32 s10, $0x1;
	s10 =	sld [smem:$0x3FBA]  }
0x3d: {  	_ =	shalt  }
0x3e: {  	_ =	shalt  }
0x3f: {  	_ =	shalt  }
0x40: {  	_ =	shalt  }
0x41: {  	_ =	shalt  }
0x42: {  	_ =	shalt  }
0x43: {  	_ =	shalt  }
0x44: {  	_ =	shalt  }
0x45: {  	_ =	shalt  }
0x46: {  	_ =	shalt  }
0x47: {  	_ =	shalt  }
0x48: {  	_ =	shalt  }
0x49: {  	_ =	shalt  }
0x4a: {  	_ =	shalt  }
0x4b: {  	_ =	shalt  }
0x4c: {  	_ =	shalt  }
0x4d: {  	_ =	shalt  }
0x4e: {  	_ =	shalt  }
0x4f: {  	_ =	shalt  }
0x50: {  	_ =	shalt  }
0x51: {  	_ =	shalt  }
0x52: {  	_ =	shalt  }
0x53: {  	_ =	shalt  }
0x54: {  	_ =	shalt  }
0x55: {  	_ =	shalt  }
0x56: {  	_ =	shalt  }
0x57: {  	_ =	shalt  }
0x58: {  	_ =	shalt  }
0x59: {  	_ =	shalt  }
0x5a: {  	_ =	shalt  }
0x5b: {  	_ =	shalt  }
0x5c: {  	_ =	shalt  }
0x5d: {  	_ =	shalt  }
0x5e: {  	_ =	shalt  }
0x5f: {  	_ =	shalt  }
0x60: {  	_ =	shalt  }
0x61: {  	_ =	shalt  }
0x62: {  	_ =	shalt  }
0x63: {  	_ =	shalt  }
0x64: {  	_ =	shalt  }
0x65: {  	_ =	shalt  }
0x66: {  	_ =	shalt  }
0x67: {  	_ =	shalt  }
0x68: {  	_ =	shalt  }
0x69: {  	_ =	shalt  }
0x6a: {  	_ =	shalt  }
0x6b: {  	_ =	shalt  }
0x6c: {  	_ =	shalt  }
0x6d: {  	_ =	shalt  }
0x6e: {  	_ =	shalt  }
0x6f: {  	_ =	shalt  }
0x70: {  	_ =	shalt  }
0x71: {  	_ =	shalt  }
0x72: {  	_ =	shalt  }
0x73: {  	_ =	shalt  }
0x74: {  	_ =	shalt  }
0x75: {  	_ =	shalt  }
0x76: {  	_ =	shalt  }
0x77: {  	_ =	shalt  }
0x78: {  	_ =	shalt  }
0x79: {  	_ =	shalt  }
0x7a: {  	_ =	shalt  }
0x7b: {  	_ =	shalt  }
0x7c: {  	_ =	shalt  }
0x7d: {  	_ =	shalt  }
0x7e: {  	_ =	shalt  }
0x7f: {  	_ =	shalt  }
0x80: {  	_ =	shalt  }
0x81: {  	_ =	shalt  }
0x82: {  	_ =	shalt  }
0x83: {  	_ =	shalt  }
0x84: {  	_ =	shalt  }
0x85: {  	_ =	shalt  }
0x86: {  	_ =	shalt  }
0x87: {  	_ =	shalt  }
.Lfunc_end0:
.L_simem_size_0:
called_computation_lowered:
.L_overlay_start_0:
0x88: {  	s2 =	sld [smem:$0x3FD9]  }
0x89: {  	s3 =	sld [smem:$0x3FFE];
	_ =	sdelay $0x1  }
0x8a: {  	s1 =	srdreg.scid  }
0x8b: {  	s0 =	sand.u32 $0x1, s1  }
0x8c: {  	s18 =	sshll.u32 s0, $0xA;
	s2 =	sadd.s32 s3, s2  }
0x8d: {  	s2 =	sadd.s32 s2, s18  }
0x8e: {  	[smem:$0x3FC6] =	sst s2  }
0x8f: {  	_ = 	snop  }
0x90: {  	s2 =	sld [smem:$0x3FC9]  }
0x91: {  	s19 =	sld [smem:$0x3FC8]  }
0x92: {  	s4 =	sld [smem:$0x3FD0];
	(tm) =	ssettm $0x1  }
0x93: {  	s5 =	sld [smem:$0x3FFB];
	_ =	sdelay $0x3  }
0x94: {  	_ =	strace s5  }
0x95: {  	s5 =	sld [smem:$0x3FFC];
	_ =	sdelay $0x3  }
0x96: {  	_ =	strace s5  }
0x97: {  	s5 =	sld [smem:$0x3FFD];
	_ =	sdelay $0x3  }
0x98: {  	_ =	strace s5  }
0x99: {  	_ =	strace $0x8FFFFFFF  }
0x9a: {  	s20 =	sld [smem:$0x3FDB];
	_ =	sdelay $0x1  }
0x9b: {  	s6 =	simm.s32 $_scs_section_size  }
0x9c: {  	s7 =	simm.s32 $_size__tile_overlayer_lowered;
	s8 =	simm.s32 $_tile_overlayer_lowered  }
0x9d: {  	s23 =	simm.s32 $0x1BFF;
	s22 =	sshll.u32 s8, $0x1;
	s5 =	sadd.s32 s6, s20  }
0x9e: {  	s9 =	simm.s32 $0x0;
	s21 =	sshll.u32 s7, $0x1;
	s7 =	sadd.s32 s22, s5  }
0x9f: {  	[timem:s9], [sflag:s23] =	dma.local [hbm:s7], s21  }
0xa0: {  	_ =	swait.ge [sflag:s23], s21  }
0xa1: {  	s6 =	ssub.s32 $0x0, s21;
	[sflag:s23] =	ssyncset.done $0x0  }
0xa2: {  	[sflag:s23] =	ssyncadd.s32 s6;
	_ =	sdelay $0x1  }
0xa3: {  	s24 =	simm.s32 $0x1B8B  }
0xa4: {  	_ =	swait.ge [sflag:s24], $0x1  }
0xa5: {  	[sflag:s24] =	ssyncset.done $0x0  }
0xa6: {  	s25 =	simm.s32 $0x1B8E;
	[sflag:s24] =	ssyncadd.s32 $0xFFFFFFFF  }
0xa7: {  	s26 =	simm.s32 $execute0_lowered;
	[smem:$0x3FD2] =	sst s25  }
0xa8: {  	s6 =	sshll.u32 s26, $0x1;
	_ =	strace $0x80000046;
	[dreg:$0x1] =	wrdreg $0xFFFFFFFF  }
0xa9: {  	s28 =	simm.s32 $_size_execute0_lowered;
	s5 =	sadd.s32 s5, s6;
	[dreg:$0x0] =	wrdreg $0x0  }
0xaa: {  	s6 =	sshll.u32 s28, $0x1;
	[dreg:$0x2] =	wrdreg s5  }
0xab: {  	[dreg:$0x3] =	wrdreg s6  }
0xac: {  	[dreg:$0x4] =	wrdreg $0xC0  }
0xad: {  	_ =	task [dreg:s9], $0x5FFFF  }
0xae: {  	[dreg:$0x1] =	wrdreg $0xFFFFFFFF  }
0xaf: {  	[dreg:$0x0] =	wrdreg $0x60  }
0xb0: {  	[dreg:$0x2] =	wrdreg s2  }
0xb1: {  	[dreg:$0x3] =	wrdreg s19  }
0xb2: {  	[dreg:$0x4] =	wrdreg s4  }
0xb3: {  	[dreg:$0x5] =	wrdreg $0x9  }
0xb4: {  	_ =	task.clear_ibuf [dreg:s9], $0x6FFFF;
	_ =	strace $0x90000046  }
0xb5: {  	s29 =	simm.s32 $0x9;
	_ =	strace $0x80000048  }
0xb6: {  	_ =	swait.ge [sflag:s29], $0x1  }
0xb7: {  	[sflag:s29] =	ssyncadd.s32 $0xFFFFFFFF  }
0xb8: {  	_ =	strace $0x90000048  }
0xb9: {  	_ =	sfence  }
0xba: {  	s30 =	sld [smem:$0x0];
	_ =	sdelay $0x2  }
0xbb: {  	s31 =	sshll.u32 s1, $0xD;
	s1 =	sshrl.u32 s1, $0x2  }
0xbc: {  	s3 =	sand.u32 $0x4000, s31;
	s1 =	sadd.s32 s1, s30  }
0xbd: {  	s0 =	sor.u32 s3, s0;
	s1 =	sshll.u32 s1, $0x11  }
0xbe: {  	s0 =	sor.u32 s1, s0  }
0xbf: {  	s0 =	sadd.s32 $0x8F2B, s0  }
0xc0: {  	[sflag:s0] =	ssyncadd.remote.s32 $0x1  }
0xc1: {  	_ =	sfence.sel $0xFFFF  }
0xc2: {  	[dreg:$0x0] =	wrdreg $0xFFFFFFFF;
	(pc) =	sbr.abs _section_cstart, $3  }
0xc3: {  	[dreg:$0x1] =	wrdreg $0xFFFFFFFF  }
0xc4: {  	_ =	task.clear_ibuf [dreg:s9], $0x2FFFF;
	_ =	strace $0x9FFFFFFF  }
0xc5: {  	(tm) =	ssettm $0x7FFFFFFF  }
tec
execute0_lowered:
.L_overlay_start_1:
0x0: {  	(tag) =	ssettag $0x1  }
0x1: {  	s0 =	rddreg [dreg:$0x0]  }
0x2: {  	s2 =	rddreg [dreg:$0x1]  }
0x3: {  	s1 =	rddreg [dreg:$0x2]  }
0x4: {  	s4 =	srdreg.scid;
	s6 =	stileid.u32;
	s3 =	simm.s32 $0x0  }
0x5: {  	s25 =	simm.s32 $0x80;
	s26 =	simm.s32 $0x200;
	s18 =	simm.s32 $0x1  }
0x6: {  	s19 =	simm.s32 $0x2;
	s28 =	simm.s32 $0x3900;
	s29 =	simm.s32 $0x4100  }
0x7: {  	s30 =	simm.s32 $0x4900;
	s31 =	simm.s32 $0x5100;
	s9 =	simm.s32 $0x11100  }
0x8: {  	s10 =	simm.s32 $0x11900;
	s11 =	simm.s32 $0x12100;
	s12 =	simm.s32 $0x12900  }
0x9: {  	s13 =	simm.s32 $0x13100;
	s14 =	simm.s32 $0x13900;
	s15 =	simm.s32 $0x14100  }
0xa: {  	s16 =	simm.s32 $0x14900;
	s17 =	simm.s32 $0x15100;
	s4 =	sand.u32 $0x1, s4  }
0xb: {  	s5 =	sshll.u32 s6, $0x1;
	[smem:$0x7FF] =	sst s3;
	s6 =	sshll.u32 s6, $0x2  }
0xc: {  	s5 =	sor.u32 s4, s5;
	_ =	strace $0x80000047;
	[dreg:$0x7] =	wrdreg s25  }
0xd: {  	s6 =	sand.u32 $0x30, s6;
	s4 =	ssub.s32 $0x2, s4;
	[dreg:$0x8] =	wrdreg s26  }
0xe: {  	s26 =	simm.s32 $0x3100;
	s25 =	simm.s32 $0x17900;
	s7 =	sshll.u32 s5, $0x7  }
0xf: {  	s0 =	sadd.s32 s0, s6;
	s5 =	sshll.u32 s5, $0xF;
	s22 =	sshrl.u32 s4, $0x1  }
0x10: {  	s6 =	sadd.s32 $0x200, s2;
	s7 =	sand.u32 $0x380, s7;
	s5 =	sadd.s32 s1, s5  }
0x11: {  	s1 =	ssub.s32 s4, s22;
	s0 =	sadd.s32 s7, s0;
	[dreg:$0x9] =	wrdreg s5  }
0x12: {  	s4 =	simm.s32 $0x10900;
	s23 =	sadd.s32 $0x3000, s5;
	[dreg:$0x4] =	wrdreg s0  }
0x13: {  	v2 =	vlaneseq.u32;
	s24 =	sadd.s32 $0x6000, s5;
	s5 =	sadd.s32 $0x100, s2;
	[dreg:$0x5] =	wrdreg s23  }
0x14: {  	vm0 =	vmmov $0xffff;
	v1 =	vshrl.u32 v2, $0x3;
	s7 =	sadd.s32 $0x300, s2;
	s8 =	smax.u32 s1, $0x1;
	[dreg:$0x6] =	wrdreg s24  }
0x15: {  	v0 =	vand.u32 $0x7, v2;
	v2 =	vor.u32 $0x8, v2;
	v1 =	vmul.u32 $0x8, v1;
	s0 =	simm.s32 $0x100;
	s23 =	simm.s32 $0x16900;
	s24 =	simm.s32 $0x17100  }
.LBB2_1:
0x16: {  	s20 =	rddreg [dreg:$0x4]  }
0x17: {  	s21 =	rddreg [dreg:$0x7]  }
0x18: {  	s22 =	rddreg [dreg:$0x8]  }
0x19: {  	[tilespmem:s3], [sflag:$0x3] =	stream.strided.gather [hbm4b:s20+s21], $0x100, s22, s21, $0x38;
	[tilespmem:$0x18100] =	vst v63  }
0x1a: {  	s21 =	simm.s32 $0x3  }
0x1b: {  	_ =	swait.ge [sflag:s21], $0x100  }
0x1c: {  	[sflag:s21] =	ssyncset.done $0x0  }
0x1d: {  	[sflag:s21] =	ssyncadd.s32 $0xFFFFFF00  }
0x1e: {  	v3 =	vld [tilespmem:$0x0];
	_ =	sdelay $0x4  }
0x1f: {  	v4 =	vshll.u32 v3, $0x3  }
0x20: {  	v3 =	vand.u32 $0x7, v3;
	v4 =	vand.u32 $0xFFFFFFC0, v4  }
0x21: {  	v3 =	vor.u32 v3, v4  }
0x22: {  	v4 =	vperm.xlane v3, v0;
	_ =	sdelay $0x1  }
0x23: {  	v4 =	vadd.s32 v1, v4;
	_ =	sdelay $0x4  }
0x24: {  	[tilespmem:s0], [sflag:$0x1] =	stream.indirect_vreg.gather [hbm4b:s2+s3], $0x80, v4, vm0, $0xb8;
	[tilespmem:$0x18100] =	vst v63  }
0x25: {  	s1 =	simm.s32 $0x900;
	v3 =	vperm.xlane v3, v2  }
0x26: {  	[tilespmem:s1], [sflag:$0x1] =	stream.indirect_vreg.gather [hbm4b:s5+s3], $0x80, v4, vm0, $0xb8;
	[tilespmem:$0x18100] =	vst v63  }
0x27: {  	s22 =	simm.s32 $0x1100;
	v3 =	vadd.s32 v1, v3  }
0x28: {  	[tilespmem:s22], [sflag:$0x1] =	stream.indirect_vreg.gather [hbm4b:s6+s3], $0x80, v4, vm0, $0xb8;
	[tilespmem:$0x18100] =	vst v63  }
0x29: {  	s20 =	simm.s32 $0x1900  }
0x2a: {  	[tilespmem:s20], [sflag:$0x1] =	stream.indirect_vreg.gather [hbm4b:s7+s3], $0x80, v4, vm0, $0xb8;
	[tilespmem:$0x18100] =	vst v63  }
0x2b: {  	s21 =	simm.s32 $0x2100  }
0x2c: {  	[tilespmem:s21], [sflag:$0x1] =	stream.indirect_vreg.gather [hbm4b:s2+s3], $0x80, v3, vm0, $0xb8;
	[tilespmem:$0x18100] =	vst v63  }
0x2d: {  	s22 =	simm.s32 $0x2900  }
0x2e: {  	[tilespmem:s22], [sflag:$0x1] =	stream.indirect_vreg.gather [hbm4b:s5+s3], $0x80, v3, vm0, $0xb8;
	[tilespmem:$0x18100] =	vst v63  }
0x2f: {  	_ = 	snop  }
0x30: {  	[tilespmem:s26], [sflag:$0x1] =	stream.indirect_vreg.gather [hbm4b:s6+s3], $0x80, v3, vm0, $0xb8;
	[tilespmem:$0x18100] =	vst v63  }
0x31: {  	_ = 	snop  }
0x32: {  	[tilespmem:s28], [sflag:$0x1] =	stream.indirect_vreg.gather [hbm4b:s7+s3], $0x80, v3, vm0, $0xb8;
	[tilespmem:$0x18100] =	vst v63  }
0x33: {  	v3 =	vld [tilespmem:$0x10];
	_ =	sdelay $0x4  }
0x34: {  	v49 =	vshll.u32 v3, $0x3  }
0x35: {  	v3 =	vand.u32 $0x7, v3;
	v4 =	vand.u32 $0xFFFFFFC0, v49  }
0x36: {  	v3 =	vor.u32 v3, v4  }
0x37: {  	v4 =	vperm.xlane v3, v0;
	_ =	sdelay $0x1  }
0x38: {  	v4 =	vadd.s32 v1, v4;
	_ =	sdelay $0x4  }
0x39: {  	[tilespmem:s29], [sflag:$0x1] =	stream.indirect_vreg.gather [hbm4b:s2+s3], $0x80, v4, vm0, $0xb8;
	[tilespmem:$0x18100] =	vst v63  }
0x3a: {  	v3 =	vperm.xlane v3, v2  }
0x3b: {  	[tilespmem:s30], [sflag:$0x1] =	stream.indirect_vreg.gather [hbm4b:s5+s3], $0x80, v4, vm0, $0xb8;
	[tilespmem:$0x18100] =	vst v63  }
0x3c: {  	v3 =	vadd.s32 v1, v3  }
0x3d: {  	[tilespmem:s31], [sflag:$0x1] =	stream.indirect_vreg.gather [hbm4b:s6+s3], $0x80, v4, vm0, $0xb8;
	[tilespmem:$0x18100] =	vst v63  }
0x3e: {  	s20 =	simm.s32 $0x5900  }
0x3f: {  	[tilespmem:s20], [sflag:$0x1] =	stream.indirect_vreg.gather [hbm4b:s7+s3], $0x80, v4, vm0, $0xb8;
	[tilespmem:$0x18100] =	vst v63  }
0x40: {  	s21 =	simm.s32 $0x6100  }
0x41: {  	[tilespmem:s21], [sflag:$0x1] =	stream.indirect_vreg.gather [hbm4b:s2+s3], $0x80, v3, vm0, $0xb8;
	[tilespmem:$0x18100] =	vst v63  }
0x42: {  	s22 =	simm.s32 $0x6900  }
0x43: {  	[tilespmem:s22], [sflag:$0x1] =	stream.indirect_vreg.gather [hbm4b:s5+s3], $0x80, v3, vm0, $0xb8;
	[tilespmem:$0x18100] =	vst v63  }
0x44: {  	s20 =	simm.s32 $0x7100  }
0x45: {  	[tilespmem:s20], [sflag:$0x1] =	stream.indirect_vreg.gather [hbm4b:s6+s3], $0x80, v3, vm0, $0xb8;
	[tilespmem:$0x18100] =	vst v63  }
0x46: {  	s21 =	simm.s32 $0x7900  }
0x47: {  	[tilespmem:s21], [sflag:$0x1] =	stream.indirect_vreg.gather [hbm4b:s7+s3], $0x80, v3, vm0, $0xb8;
	[tilespmem:$0x18100] =	vst v63  }
0x48: {  	v3 =	vld [tilespmem:$0x20];
	_ =	sdelay $0x4  }
0x49: {  	v50 =	vshll.u32 v3, $0x3  }
0x4a: {  	v3 =	vand.u32 $0x7, v3;
	v4 =	vand.u32 $0xFFFFFFC0, v50  }
0x4b: {  	v3 =	vor.u32 v3, v4  }
0x4c: {  	v4 =	vperm.xlane v3, v0;
	_ =	sdelay $0x1  }
0x4d: {  	v4 =	vadd.s32 v1, v4;
	_ =	sdelay $0x3  }
0x4e: {  	s22 =	simm.s32 $0x8100  }
0x4f: {  	[tilespmem:s22], [sflag:$0x1] =	stream.indirect_vreg.gather [hbm4b:s2+s3], $0x80, v4, vm0, $0xb8;
	[tilespmem:$0x18100] =	vst v63  }
0x50: {  	s20 =	simm.s32 $0x8900;
	v3 =	vperm.xlane v3, v2  }
0x51: {  	[tilespmem:s20], [sflag:$0x1] =	stream.indirect_vreg.gather [hbm4b:s5+s3], $0x80, v4, vm0, $0xb8;
	[tilespmem:$0x18100] =	vst v63  }
0x52: {  	s21 =	simm.s32 $0x9100;
	v3 =	vadd.s32 v1, v3  }
0x53: {  	[tilespmem:s21], [sflag:$0x1] =	stream.indirect_vreg.gather [hbm4b:s6+s3], $0x80, v4, vm0, $0xb8;
	[tilespmem:$0x18100] =	vst v63  }
0x54: {  	s22 =	simm.s32 $0x9900  }
0x55: {  	[tilespmem:s22], [sflag:$0x1] =	stream.indirect_vreg.gather [hbm4b:s7+s3], $0x80, v4, vm0, $0xb8;
	[tilespmem:$0x18100] =	vst v63  }
0x56: {  	s20 =	simm.s32 $0xA100  }
0x57: {  	[tilespmem:s20], [sflag:$0x1] =	stream.indirect_vreg.gather [hbm4b:s2+s3], $0x80, v3, vm0, $0xb8;
	[tilespmem:$0x18100] =	vst v63  }
0x58: {  	s21 =	simm.s32 $0xA900  }
0x59: {  	[tilespmem:s21], [sflag:$0x1] =	stream.indirect_vreg.gather [hbm4b:s5+s3], $0x80, v3, vm0, $0xb8;
	[tilespmem:$0x18100] =	vst v63  }
0x5a: {  	s22 =	simm.s32 $0xB100  }
0x5b: {  	[tilespmem:s22], [sflag:$0x1] =	stream.indirect_vreg.gather [hbm4b:s6+s3], $0x80, v3, vm0, $0xb8;
	[tilespmem:$0x18100] =	vst v63  }
0x5c: {  	s20 =	simm.s32 $0xB900  }
0x5d: {  	[tilespmem:s20], [sflag:$0x1] =	stream.indirect_vreg.gather [hbm4b:s7+s3], $0x80, v3, vm0, $0xb8;
	[tilespmem:$0x18100] =	vst v63  }
0x5e: {  	v3 =	vld [tilespmem:$0x30];
	_ =	sdelay $0x4  }
0x5f: {  	v51 =	vshll.u32 v3, $0x3  }
0x60: {  	v3 =	vand.u32 $0x7, v3;
	v4 =	vand.u32 $0xFFFFFFC0, v51  }
0x61: {  	v3 =	vor.u32 v3, v4  }
0x62: {  	v4 =	vperm.xlane v3, v0;
	_ =	sdelay $0x1  }
0x63: {  	v4 =	vadd.s32 v1, v4;
	_ =	sdelay $0x3  }
0x64: {  	s21 =	simm.s32 $0xC100  }
0x65: {  	[tilespmem:s21], [sflag:$0x1] =	stream.indirect_vreg.gather [hbm4b:s2+s3], $0x80, v4, vm0, $0xb8;
	[tilespmem:$0x18100] =	vst v63  }
0x66: {  	s22 =	simm.s32 $0xC900;
	v3 =	vperm.xlane v3, v2  }
0x67: {  	[tilespmem:s22], [sflag:$0x1] =	stream.indirect_vreg.gather [hbm4b:s5+s3], $0x80, v4, vm0, $0xb8;
	[tilespmem:$0x18100] =	vst v63  }
0x68: {  	s20 =	simm.s32 $0xD100;
	v3 =	vadd.s32 v1, v3  }
0x69: {  	[tilespmem:s20], [sflag:$0x1] =	stream.indirect_vreg.gather [hbm4b:s6+s3], $0x80, v4, vm0, $0xb8;
	[tilespmem:$0x18100] =	vst v63  }
0x6a: {  	s21 =	simm.s32 $0xD900  }
0x6b: {  	[tilespmem:s21], [sflag:$0x1] =	stream.indirect_vreg.gather [hbm4b:s7+s3], $0x80, v4, vm0, $0xb8;
	[tilespmem:$0x18100] =	vst v63  }
0x6c: {  	s22 =	simm.s32 $0xE100  }
0x6d: {  	[tilespmem:s22], [sflag:$0x1] =	stream.indirect_vreg.gather [hbm4b:s2+s3], $0x80, v3, vm0, $0xb8;
	[tilespmem:$0x18100] =	vst v63  }
0x6e: {  	s20 =	simm.s32 $0xE900  }
0x6f: {  	[tilespmem:s20], [sflag:$0x1] =	stream.indirect_vreg.gather [hbm4b:s5+s3], $0x80, v3, vm0, $0xb8;
	[tilespmem:$0x18100] =	vst v63  }
0x70: {  	s21 =	simm.s32 $0xF100  }
0x71: {  	[tilespmem:s21], [sflag:$0x1] =	stream.indirect_vreg.gather [hbm4b:s6+s3], $0x80, v3, vm0, $0xb8;
	[tilespmem:$0x18100] =	vst v63  }
0x72: {  	s22 =	simm.s32 $0xF900  }
0x73: {  	[tilespmem:s22], [sflag:$0x1] =	stream.indirect_vreg.gather [hbm4b:s7+s3], $0x80, v3, vm0, $0xb8;
	[tilespmem:$0x18100] =	vst v63  }
0x74: {  	v3 =	vld [tilespmem:$0x40];
	_ =	sdelay $0x4  }
0x75: {  	v52 =	vshll.u32 v3, $0x3  }
0x76: {  	v3 =	vand.u32 $0x7, v3;
	v4 =	vand.u32 $0xFFFFFFC0, v52  }
0x77: {  	v3 =	vor.u32 v3, v4  }
0x78: {  	v4 =	vperm.xlane v3, v0;
	_ =	sdelay $0x1  }
0x79: {  	v4 =	vadd.s32 v1, v4;
	_ =	sdelay $0x3  }
0x7a: {  	s1 =	simm.s32 $0x10100  }
0x7b: {  	[tilespmem:s1], [sflag:$0x1] =	stream.indirect_vreg.gather [hbm4b:s2+s3], $0x80, v4, vm0, $0xb8;
	[tilespmem:$0x18100] =	vst v63  }
0x7c: {  	v3 =	vperm.xlane v3, v2  }
0x7d: {  	[tilespmem:s4], [sflag:$0x1] =	stream.indirect_vreg.gather [hbm4b:s5+s3], $0x80, v4, vm0, $0xb8;
	[tilespmem:$0x18100] =	vst v63  }
0x7e: {  	v3 =	vadd.s32 v1, v3  }
0x7f: {  	[tilespmem:s9], [sflag:$0x1] =	stream.indirect_vreg.gather [hbm4b:s6+s3], $0x80, v4, vm0, $0xb8;
	[tilespmem:$0x18100] =	vst v63  }
0x80: {  	_ = 	snop  }
0x81: {  	[tilespmem:s10], [sflag:$0x1] =	stream.indirect_vreg.gather [hbm4b:s7+s3], $0x80, v4, vm0, $0xb8;
	[tilespmem:$0x18100] =	vst v63  }
0x82: {  	_ = 	snop  }
0x83: {  	[tilespmem:s11], [sflag:$0x1] =	stream.indirect_vreg.gather [hbm4b:s2+s3], $0x80, v3, vm0, $0xb8;
	[tilespmem:$0x18100] =	vst v63  }
0x84: {  	_ = 	snop  }
0x85: {  	[tilespmem:s12], [sflag:$0x1] =	stream.indirect_vreg.gather [hbm4b:s5+s3], $0x80, v3, vm0, $0xb8;
	[tilespmem:$0x18100] =	vst v63  }
0x86: {  	_ = 	snop  }
0x87: {  	[tilespmem:s13], [sflag:$0x1] =	stream.indirect_vreg.gather [hbm4b:s6+s3], $0x80, v3, vm0, $0xb8;
	[tilespmem:$0x18100] =	vst v63  }
0x88: {  	_ = 	snop  }
0x89: {  	[tilespmem:s14], [sflag:$0x1] =	stream.indirect_vreg.gather [hbm4b:s7+s3], $0x80, v3, vm0, $0xb8;
	[tilespmem:$0x18100] =	vst v63  }
0x8a: {  	v3 =	vld [tilespmem:$0x50];
	_ =	sdelay $0x4  }
0x8b: {  	v53 =	vshll.u32 v3, $0x3  }
0x8c: {  	v3 =	vand.u32 $0x7, v3;
	v4 =	vand.u32 $0xFFFFFFC0, v53  }
0x8d: {  	v3 =	vor.u32 v3, v4  }
0x8e: {  	v4 =	vperm.xlane v3, v0;
	_ =	sdelay $0x1  }
0x8f: {  	v4 =	vadd.s32 v1, v4;
	_ =	sdelay $0x4  }
0x90: {  	[tilespmem:s15], [sflag:$0x1] =	stream.indirect_vreg.gather [hbm4b:s2+s3], $0x80, v4, vm0, $0xb8;
	[tilespmem:$0x18100] =	vst v63  }
0x91: {  	v3 =	vperm.xlane v3, v2  }
0x92: {  	[tilespmem:s16], [sflag:$0x1] =	stream.indirect_vreg.gather [hbm4b:s5+s3], $0x80, v4, vm0, $0xb8;
	[tilespmem:$0x18100] =	vst v63  }
0x93: {  	v3 =	vadd.s32 v1, v3  }
0x94: {  	[tilespmem:s17], [sflag:$0x1] =	stream.indirect_vreg.gather [hbm4b:s6+s3], $0x80, v4, vm0, $0xb8;
	[tilespmem:$0x18100] =	vst v63  }
0x95: {  	s21 =	simm.s32 $0x15900  }
0x96: {  	[tilespmem:s21], [sflag:$0x1] =	stream.indirect_vreg.gather [hbm4b:s7+s3], $0x80, v4, vm0, $0xb8;
	[tilespmem:$0x18100] =	vst v63  }
0x97: {  	s22 =	simm.s32 $0x16100  }
0x98: {  	[tilespmem:s22], [sflag:$0x1] =	stream.indirect_vreg.gather [hbm4b:s2+s3], $0x80, v3, vm0, $0xb8;
	[tilespmem:$0x18100] =	vst v63  }
0x99: {  	_ = 	snop  }
0x9a: {  	[tilespmem:s23], [sflag:$0x1] =	stream.indirect_vreg.gather [hbm4b:s5+s3], $0x80, v3, vm0, $0xb8;
	[tilespmem:$0x18100] =	vst v63  }
0x9b: {  	_ = 	snop  }
0x9c: {  	[tilespmem:s24], [sflag:$0x1] =	stream.indirect_vreg.gather [hbm4b:s6+s3], $0x80, v3, vm0, $0xb8;
	[tilespmem:$0x18100] =	vst v63  }
0x9d: {  	_ = 	snop  }
0x9e: {  	[tilespmem:s25], [sflag:$0x1] =	stream.indirect_vreg.gather [hbm4b:s7+s3], $0x80, v3, vm0, $0xb8;
	[tilespmem:$0x18100] =	vst v63  }
0x9f: {  	_ =	swait.ge [sflag:s18], $0x18000  }
0xa0: {  	[sflag:s18] =	ssyncset.done $0x0  }
0xa1: {  	s20 =	rddreg [dreg:$0x9];
	[sflag:s18] =	ssyncadd.s32 $0xFFFE8000  }
0xa2: {  	[hbm4b:s20+s3] =	stream.linear.scatter [tilespmem:s0], [sflag:$0x2], $0x18000, $0x38;
	[tilespmem:$0x18100] =	vst v63  }
0xa3: {  	_ =	swait.ge [sflag:s19], $0x18000  }
0xa4: {  	[sflag:s19] =	ssyncset.done $0x0  }
0xa5: {  	[sflag:s19] =	ssyncadd.s32 $0xFFFE8000  }
0xa6: {  	v3 =	vld [tilespmem:$0x60];
	_ =	sdelay $0x4  }
0xa7: {  	v54 =	vshll.u32 v3, $0x3  }
0xa8: {  	v3 =	vand.u32 $0x7, v3;
	v4 =	vand.u32 $0xFFFFFFC0, v54  }
0xa9: {  	v3 =	vor.u32 v3, v4  }
0xaa: {  	v4 =	vperm.xlane v3, v0;
	_ =	sdelay $0x1  }
0xab: {  	v4 =	vadd.s32 v1, v4;
	_ =	sdelay $0x4  }
0xac: {  	[tilespmem:s0], [sflag:$0x1] =	stream.indirect_vreg.gather [hbm4b:s2+s3], $0x80, v4, vm0, $0xb8;
	[tilespmem:$0x18100] =	vst v63  }
0xad: {  	s20 =	simm.s32 $0x900;
	v3 =	vperm.xlane v3, v2  }
0xae: {  	[tilespmem:s20], [sflag:$0x1] =	stream.indirect_vreg.gather [hbm4b:s5+s3], $0x80, v4, vm0, $0xb8;
	[tilespmem:$0x18100] =	vst v63  }
0xaf: {  	v3 =	vadd.s32 v1, v3;
	s20 =	simm.s32 $0x1100  }
0xb0: {  	[tilespmem:s20], [sflag:$0x1] =	stream.indirect_vreg.gather [hbm4b:s6+s3], $0x80, v4, vm0, $0xb8;
	[tilespmem:$0x18100] =	vst v63  }
0xb1: {  	s20 =	simm.s32 $0x1900  }
0xb2: {  	[tilespmem:s20], [sflag:$0x1] =	stream.indirect_vreg.gather [hbm4b:s7+s3], $0x80, v4, vm0, $0xb8;
	[tilespmem:$0x18100] =	vst v63  }
0xb3: {  	s20 =	simm.s32 $0x2100  }
0xb4: {  	[tilespmem:s20], [sflag:$0x1] =	stream.indirect_vreg.gather [hbm4b:s2+s3], $0x80, v3, vm0, $0xb8;
	[tilespmem:$0x18100] =	vst v63  }
0xb5: {  	s20 =	simm.s32 $0x2900  }
0xb6: {  	[tilespmem:s20], [sflag:$0x1] =	stream.indirect_vreg.gather [hbm4b:s5+s3], $0x80, v3, vm0, $0xb8;
	[tilespmem:$0x18100] =	vst v63  }
0xb7: {  	_ = 	snop  }
0xb8: {  	[tilespmem:s26], [sflag:$0x1] =	stream.indirect_vreg.gather [hbm4b:s6+s3], $0x80, v3, vm0, $0xb8;
	[tilespmem:$0x18100] =	vst v63  }
0xb9: {  	_ = 	snop  }
0xba: {  	[tilespmem:s28], [sflag:$0x1] =	stream.indirect_vreg.gather [hbm4b:s7+s3], $0x80, v3, vm0, $0xb8;
	[tilespmem:$0x18100] =	vst v63  }
0xbb: {  	v3 =	vld [tilespmem:$0x70];
	_ =	sdelay $0x4  }
0xbc: {  	v55 =	vshll.u32 v3, $0x3  }
0xbd: {  	v3 =	vand.u32 $0x7, v3;
	v4 =	vand.u32 $0xFFFFFFC0, v55  }
0xbe: {  	v3 =	vor.u32 v3, v4  }
0xbf: {  	v4 =	vperm.xlane v3, v0;
	_ =	sdelay $0x1  }
0xc0: {  	v4 =	vadd.s32 v1, v4;
	_ =	sdelay $0x4  }
0xc1: {  	[tilespmem:s29], [sflag:$0x1] =	stream.indirect_vreg.gather [hbm4b:s2+s3], $0x80, v4, vm0, $0xb8;
	[tilespmem:$0x18100] =	vst v63  }
0xc2: {  	v3 =	vperm.xlane v3, v2  }
0xc3: {  	[tilespmem:s30], [sflag:$0x1] =	stream.indirect_vreg.gather [hbm4b:s5+s3], $0x80, v4, vm0, $0xb8;
	[tilespmem:$0x18100] =	vst v63  }
0xc4: {  	v3 =	vadd.s32 v1, v3  }
0xc5: {  	[tilespmem:s31], [sflag:$0x1] =	stream.indirect_vreg.gather [hbm4b:s6+s3], $0x80, v4, vm0, $0xb8;
	[tilespmem:$0x18100] =	vst v63  }
0xc6: {  	s20 =	simm.s32 $0x5900  }
0xc7: {  	[tilespmem:s20], [sflag:$0x1] =	stream.indirect_vreg.gather [hbm4b:s7+s3], $0x80, v4, vm0, $0xb8;
	[tilespmem:$0x18100] =	vst v63  }
0xc8: {  	s20 =	simm.s32 $0x6100  }
0xc9: {  	[tilespmem:s20], [sflag:$0x1] =	stream.indirect_vreg.gather [hbm4b:s2+s3], $0x80, v3, vm0, $0xb8;
	[tilespmem:$0x18100] =	vst v63  }
0xca: {  	s20 =	simm.s32 $0x6900  }
0xcb: {  	[tilespmem:s20], [sflag:$0x1] =	stream.indirect_vreg.gather [hbm4b:s5+s3], $0x80, v3, vm0, $0xb8;
	[tilespmem:$0x18100] =	vst v63  }
0xcc: {  	s20 =	simm.s32 $0x7100  }
0xcd: {  	[tilespmem:s20], [sflag:$0x1] =	stream.indirect_vreg.gather [hbm4b:s6+s3], $0x80, v3, vm0, $0xb8;
	[tilespmem:$0x18100] =	vst v63  }
0xce: {  	s20 =	simm.s32 $0x7900  }
0xcf: {  	[tilespmem:s20], [sflag:$0x1] =	stream.indirect_vreg.gather [hbm4b:s7+s3], $0x80, v3, vm0, $0xb8;
	[tilespmem:$0x18100] =	vst v63  }
0xd0: {  	v3 =	vld [tilespmem:$0x80];
	_ =	sdelay $0x4  }
0xd1: {  	v56 =	vshll.u32 v3, $0x3  }
0xd2: {  	v3 =	vand.u32 $0x7, v3;
	v4 =	vand.u32 $0xFFFFFFC0, v56  }
0xd3: {  	v3 =	vor.u32 v3, v4  }
0xd4: {  	v4 =	vperm.xlane v3, v0;
	_ =	sdelay $0x1  }
0xd5: {  	v4 =	vadd.s32 v1, v4;
	_ =	sdelay $0x3  }
0xd6: {  	s20 =	simm.s32 $0x8100  }
0xd7: {  	[tilespmem:s20], [sflag:$0x1] =	stream.indirect_vreg.gather [hbm4b:s2+s3], $0x80, v4, vm0, $0xb8;
	[tilespmem:$0x18100] =	vst v63  }
0xd8: {  	v3 =	vperm.xlane v3, v2;
	s20 =	simm.s32 $0x8900  }
0xd9: {  	[tilespmem:s20], [sflag:$0x1] =	stream.indirect_vreg.gather [hbm4b:s5+s3], $0x80, v4, vm0, $0xb8;
	[tilespmem:$0x18100] =	vst v63  }
0xda: {  	v3 =	vadd.s32 v1, v3;
	s20 =	simm.s32 $0x9100  }
0xdb: {  	[tilespmem:s20], [sflag:$0x1] =	stream.indirect_vreg.gather [hbm4b:s6+s3], $0x80, v4, vm0, $0xb8;
	[tilespmem:$0x18100] =	vst v63  }
0xdc: {  	s20 =	simm.s32 $0x9900  }
0xdd: {  	[tilespmem:s20], [sflag:$0x1] =	stream.indirect_vreg.gather [hbm4b:s7+s3], $0x80, v4, vm0, $0xb8;
	[tilespmem:$0x18100] =	vst v63  }
0xde: {  	s20 =	simm.s32 $0xA100  }
0xdf: {  	[tilespmem:s20], [sflag:$0x1] =	stream.indirect_vreg.gather [hbm4b:s2+s3], $0x80, v3, vm0, $0xb8;
	[tilespmem:$0x18100] =	vst v63  }
0xe0: {  	s20 =	simm.s32 $0xA900  }
0xe1: {  	[tilespmem:s20], [sflag:$0x1] =	stream.indirect_vreg.gather [hbm4b:s5+s3], $0x80, v3, vm0, $0xb8;
	[tilespmem:$0x18100] =	vst v63  }
0xe2: {  	s20 =	simm.s32 $0xB100  }
0xe3: {  	[tilespmem:s20], [sflag:$0x1] =	stream.indirect_vreg.gather [hbm4b:s6+s3], $0x80, v3, vm0, $0xb8;
	[tilespmem:$0x18100] =	vst v63  }
0xe4: {  	s20 =	simm.s32 $0xB900  }
0xe5: {  	[tilespmem:s20], [sflag:$0x1] =	stream.indirect_vreg.gather [hbm4b:s7+s3], $0x80, v3, vm0, $0xb8;
	[tilespmem:$0x18100] =	vst v63  }
0xe6: {  	v3 =	vld [tilespmem:$0x90];
	_ =	sdelay $0x4  }
0xe7: {  	v57 =	vshll.u32 v3, $0x3  }
0xe8: {  	v3 =	vand.u32 $0x7, v3;
	v4 =	vand.u32 $0xFFFFFFC0, v57  }
0xe9: {  	v3 =	vor.u32 v3, v4  }
0xea: {  	v4 =	vperm.xlane v3, v0;
	_ =	sdelay $0x1  }
0xeb: {  	v4 =	vadd.s32 v1, v4;
	_ =	sdelay $0x3  }
0xec: {  	s20 =	simm.s32 $0xC100  }
0xed: {  	[tilespmem:s20], [sflag:$0x1] =	stream.indirect_vreg.gather [hbm4b:s2+s3], $0x80, v4, vm0, $0xb8;
	[tilespmem:$0x18100] =	vst v63  }
0xee: {  	v3 =	vperm.xlane v3, v2;
	s20 =	simm.s32 $0xC900  }
0xef: {  	[tilespmem:s20], [sflag:$0x1] =	stream.indirect_vreg.gather [hbm4b:s5+s3], $0x80, v4, vm0, $0xb8;
	[tilespmem:$0x18100] =	vst v63  }
0xf0: {  	v3 =	vadd.s32 v1, v3;
	s20 =	simm.s32 $0xD100  }
0xf1: {  	[tilespmem:s20], [sflag:$0x1] =	stream.indirect_vreg.gather [hbm4b:s6+s3], $0x80, v4, vm0, $0xb8;
	[tilespmem:$0x18100] =	vst v63  }
0xf2: {  	s20 =	simm.s32 $0xD900  }
0xf3: {  	[tilespmem:s20], [sflag:$0x1] =	stream.indirect_vreg.gather [hbm4b:s7+s3], $0x80, v4, vm0, $0xb8;
	[tilespmem:$0x18100] =	vst v63  }
0xf4: {  	s20 =	simm.s32 $0xE100  }
0xf5: {  	[tilespmem:s20], [sflag:$0x1] =	stream.indirect_vreg.gather [hbm4b:s2+s3], $0x80, v3, vm0, $0xb8;
	[tilespmem:$0x18100] =	vst v63  }
0xf6: {  	s20 =	simm.s32 $0xE900  }
0xf7: {  	[tilespmem:s20], [sflag:$0x1] =	stream.indirect_vreg.gather [hbm4b:s5+s3], $0x80, v3, vm0, $0xb8;
	[tilespmem:$0x18100] =	vst v63  }
0xf8: {  	s20 =	simm.s32 $0xF100  }
0xf9: {  	[tilespmem:s20], [sflag:$0x1] =	stream.indirect_vreg.gather [hbm4b:s6+s3], $0x80, v3, vm0, $0xb8;
	[tilespmem:$0x18100] =	vst v63  }
0xfa: {  	s20 =	simm.s32 $0xF900  }
0xfb: {  	[tilespmem:s20], [sflag:$0x1] =	stream.indirect_vreg.gather [hbm4b:s7+s3], $0x80, v3, vm0, $0xb8;
	[tilespmem:$0x18100] =	vst v63  }
0xfc: {  	v3 =	vld [tilespmem:$0xA0];
	_ =	sdelay $0x4  }
0xfd: {  	v58 =	vshll.u32 v3, $0x3  }
0xfe: {  	v3 =	vand.u32 $0x7, v3;
	v4 =	vand.u32 $0xFFFFFFC0, v58  }
0xff: {  	v3 =	vor.u32 v3, v4  }
0x100: {  	v4 =	vperm.xlane v3, v0;
	_ =	sdelay $0x1  }
0x101: {  	v4 =	vadd.s32 v1, v4;
	_ =	sdelay $0x4  }
0x102: {  	[tilespmem:s1], [sflag:$0x1] =	stream.indirect_vreg.gather [hbm4b:s2+s3], $0x80, v4, vm0, $0xb8;
	[tilespmem:$0x18100] =	vst v63  }
0x103: {  	v3 =	vperm.xlane v3, v2  }
0x104: {  	[tilespmem:s4], [sflag:$0x1] =	stream.indirect_vreg.gather [hbm4b:s5+s3], $0x80, v4, vm0, $0xb8;
	[tilespmem:$0x18100] =	vst v63  }
0x105: {  	v3 =	vadd.s32 v1, v3  }
0x106: {  	[tilespmem:s9], [sflag:$0x1] =	stream.indirect_vreg.gather [hbm4b:s6+s3], $0x80, v4, vm0, $0xb8;
	[tilespmem:$0x18100] =	vst v63  }
0x107: {  	_ = 	snop  }
0x108: {  	[tilespmem:s10], [sflag:$0x1] =	stream.indirect_vreg.gather [hbm4b:s7+s3], $0x80, v4, vm0, $0xb8;
	[tilespmem:$0x18100] =	vst v63  }
0x109: {  	_ = 	snop  }
0x10a: {  	[tilespmem:s11], [sflag:$0x1] =	stream.indirect_vreg.gather [hbm4b:s2+s3], $0x80, v3, vm0, $0xb8;
	[tilespmem:$0x18100] =	vst v63  }
0x10b: {  	_ = 	snop  }
0x10c: {  	[tilespmem:s12], [sflag:$0x1] =	stream.indirect_vreg.gather [hbm4b:s5+s3], $0x80, v3, vm0, $0xb8;
	[tilespmem:$0x18100] =	vst v63  }
0x10d: {  	_ = 	snop  }
0x10e: {  	[tilespmem:s13], [sflag:$0x1] =	stream.indirect_vreg.gather [hbm4b:s6+s3], $0x80, v3, vm0, $0xb8;
	[tilespmem:$0x18100] =	vst v63  }
0x10f: {  	_ = 	snop  }
0x110: {  	[tilespmem:s14], [sflag:$0x1] =	stream.indirect_vreg.gather [hbm4b:s7+s3], $0x80, v3, vm0, $0xb8;
	[tilespmem:$0x18100] =	vst v63  }
0x111: {  	v3 =	vld [tilespmem:$0xB0];
	_ =	sdelay $0x4  }
0x112: {  	v59 =	vshll.u32 v3, $0x3  }
0x113: {  	v3 =	vand.u32 $0x7, v3;
	v4 =	vand.u32 $0xFFFFFFC0, v59  }
0x114: {  	v3 =	vor.u32 v3, v4  }
0x115: {  	v4 =	vperm.xlane v3, v0;
	_ =	sdelay $0x1  }
0x116: {  	v4 =	vadd.s32 v1, v4;
	_ =	sdelay $0x4  }
0x117: {  	[tilespmem:s15], [sflag:$0x1] =	stream.indirect_vreg.gather [hbm4b:s2+s3], $0x80, v4, vm0, $0xb8;
	[tilespmem:$0x18100] =	vst v63  }
0x118: {  	v3 =	vperm.xlane v3, v2  }
0x119: {  	[tilespmem:s16], [sflag:$0x1] =	stream.indirect_vreg.gather [hbm4b:s5+s3], $0x80, v4, vm0, $0xb8;
	[tilespmem:$0x18100] =	vst v63  }
0x11a: {  	v3 =	vadd.s32 v1, v3  }
0x11b: {  	[tilespmem:s17], [sflag:$0x1] =	stream.indirect_vreg.gather [hbm4b:s6+s3], $0x80, v4, vm0, $0xb8;
	[tilespmem:$0x18100] =	vst v63  }
0x11c: {  	_ = 	snop  }
0x11d: {  	[tilespmem:s21], [sflag:$0x1] =	stream.indirect_vreg.gather [hbm4b:s7+s3], $0x80, v4, vm0, $0xb8;
	[tilespmem:$0x18100] =	vst v63  }
0x11e: {  	_ = 	snop  }
0x11f: {  	[tilespmem:s22], [sflag:$0x1] =	stream.indirect_vreg.gather [hbm4b:s2+s3], $0x80, v3, vm0, $0xb8;
	[tilespmem:$0x18100] =	vst v63  }
0x120: {  	_ = 	snop  }
0x121: {  	[tilespmem:s23], [sflag:$0x1] =	stream.indirect_vreg.gather [hbm4b:s5+s3], $0x80, v3, vm0, $0xb8;
	[tilespmem:$0x18100] =	vst v63  }
0x122: {  	_ = 	snop  }
0x123: {  	[tilespmem:s24], [sflag:$0x1] =	stream.indirect_vreg.gather [hbm4b:s6+s3], $0x80, v3, vm0, $0xb8;
	[tilespmem:$0x18100] =	vst v63  }
0x124: {  	_ = 	snop  }
0x125: {  	[tilespmem:s25], [sflag:$0x1] =	stream.indirect_vreg.gather [hbm4b:s7+s3], $0x80, v3, vm0, $0xb8;
	[tilespmem:$0x18100] =	vst v63  }
0x126: {  	_ =	swait.ge [sflag:s18], $0x18000  }
0x127: {  	[sflag:s18] =	ssyncset.done $0x0  }
0x128: {  	s1 =	rddreg [dreg:$0x5];
	[sflag:s18] =	ssyncadd.s32 $0xFFFE8000  }
0x129: {  	[hbm4b:s1+s3] =	stream.linear.scatter [tilespmem:s0], [sflag:$0x2], $0x18000, $0x38;
	[tilespmem:$0x18100] =	vst v63  }
0x12a: {  	_ =	swait.ge [sflag:s19], $0x18000  }
0x12b: {  	[sflag:s19] =	ssyncset.done $0x0  }
0x12c: {  	[sflag:s19] =	ssyncadd.s32 $0xFFFE8000  }
0x12d: {  	v3 =	vld [tilespmem:$0xC0];
	_ =	sdelay $0x4  }
0x12e: {  	v60 =	vshll.u32 v3, $0x3  }
0x12f: {  	v3 =	vand.u32 $0x7, v3;
	v4 =	vand.u32 $0xFFFFFFC0, v60  }
0x130: {  	v3 =	vor.u32 v3, v4  }
0x131: {  	v4 =	vperm.xlane v3, v0;
	_ =	sdelay $0x1  }
0x132: {  	v4 =	vadd.s32 v1, v4;
	_ =	sdelay $0x4  }
0x133: {  	[tilespmem:s0], [sflag:$0x1] =	stream.indirect_vreg.gather [hbm4b:s2+s3], $0x80, v4, vm0, $0xb8;
	[tilespmem:$0x18100] =	vst v63  }
0x134: {  	s20 =	simm.s32 $0x900;
	v3 =	vperm.xlane v3, v2  }
0x135: {  	[tilespmem:s20], [sflag:$0x1] =	stream.indirect_vreg.gather [hbm4b:s5+s3], $0x80, v4, vm0, $0xb8;
	[tilespmem:$0x18100] =	vst v63  }
0x136: {  	s21 =	simm.s32 $0x1100;
	v3 =	vadd.s32 v1, v3  }
0x137: {  	[tilespmem:s21], [sflag:$0x1] =	stream.indirect_vreg.gather [hbm4b:s6+s3], $0x80, v4, vm0, $0xb8;
	[tilespmem:$0x18100] =	vst v63  }
0x138: {  	s22 =	simm.s32 $0x1900  }
0x139: {  	[tilespmem:s22], [sflag:$0x1] =	stream.indirect_vreg.gather [hbm4b:s7+s3], $0x80, v4, vm0, $0xb8;
	[tilespmem:$0x18100] =	vst v63  }
0x13a: {  	s20 =	simm.s32 $0x2100  }
0x13b: {  	[tilespmem:s20], [sflag:$0x1] =	stream.indirect_vreg.gather [hbm4b:s2+s3], $0x80, v3, vm0, $0xb8;
	[tilespmem:$0x18100] =	vst v63  }
0x13c: {  	s21 =	simm.s32 $0x2900  }
0x13d: {  	[tilespmem:s21], [sflag:$0x1] =	stream.indirect_vreg.gather [hbm4b:s5+s3], $0x80, v3, vm0, $0xb8;
	[tilespmem:$0x18100] =	vst v63  }
0x13e: {  	_ = 	snop  }
0x13f: {  	[tilespmem:s26], [sflag:$0x1] =	stream.indirect_vreg.gather [hbm4b:s6+s3], $0x80, v3, vm0, $0xb8;
	[tilespmem:$0x18100] =	vst v63  }
0x140: {  	_ = 	snop  }
0x141: {  	[tilespmem:s28], [sflag:$0x1] =	stream.indirect_vreg.gather [hbm4b:s7+s3], $0x80, v3, vm0, $0xb8;
	[tilespmem:$0x18100] =	vst v63  }
0x142: {  	v3 =	vld [tilespmem:$0xD0];
	_ =	sdelay $0x4  }
0x143: {  	v61 =	vshll.u32 v3, $0x3  }
0x144: {  	v3 =	vand.u32 $0x7, v3;
	v4 =	vand.u32 $0xFFFFFFC0, v61  }
0x145: {  	v3 =	vor.u32 v3, v4  }
0x146: {  	v4 =	vperm.xlane v3, v0;
	_ =	sdelay $0x1  }
0x147: {  	v4 =	vadd.s32 v1, v4;
	_ =	sdelay $0x4  }
0x148: {  	[tilespmem:s29], [sflag:$0x1] =	stream.indirect_vreg.gather [hbm4b:s2+s3], $0x80, v4, vm0, $0xb8;
	[tilespmem:$0x18100] =	vst v63  }
0x149: {  	v3 =	vperm.xlane v3, v2  }
0x14a: {  	[tilespmem:s30], [sflag:$0x1] =	stream.indirect_vreg.gather [hbm4b:s5+s3], $0x80, v4, vm0, $0xb8;
	[tilespmem:$0x18100] =	vst v63  }
0x14b: {  	v3 =	vadd.s32 v1, v3  }
0x14c: {  	[tilespmem:s31], [sflag:$0x1] =	stream.indirect_vreg.gather [hbm4b:s6+s3], $0x80, v4, vm0, $0xb8;
	[tilespmem:$0x18100] =	vst v63  }
0x14d: {  	s22 =	simm.s32 $0x5900  }
0x14e: {  	[tilespmem:s22], [sflag:$0x1] =	stream.indirect_vreg.gather [hbm4b:s7+s3], $0x80, v4, vm0, $0xb8;
	[tilespmem:$0x18100] =	vst v63  }
0x14f: {  	s20 =	simm.s32 $0x6100  }
0x150: {  	[tilespmem:s20], [sflag:$0x1] =	stream.indirect_vreg.gather [hbm4b:s2+s3], $0x80, v3, vm0, $0xb8;
	[tilespmem:$0x18100] =	vst v63  }
0x151: {  	s21 =	simm.s32 $0x6900  }
0x152: {  	[tilespmem:s21], [sflag:$0x1] =	stream.indirect_vreg.gather [hbm4b:s5+s3], $0x80, v3, vm0, $0xb8;
	[tilespmem:$0x18100] =	vst v63  }
0x153: {  	s22 =	simm.s32 $0x7100  }
0x154: {  	[tilespmem:s22], [sflag:$0x1] =	stream.indirect_vreg.gather [hbm4b:s6+s3], $0x80, v3, vm0, $0xb8;
	[tilespmem:$0x18100] =	vst v63  }
0x155: {  	s20 =	simm.s32 $0x7900  }
0x156: {  	[tilespmem:s20], [sflag:$0x1] =	stream.indirect_vreg.gather [hbm4b:s7+s3], $0x80, v3, vm0, $0xb8;
	[tilespmem:$0x18100] =	vst v63  }
0x157: {  	v3 =	vld [tilespmem:$0xE0];
	_ =	sdelay $0x4  }
0x158: {  	v62 =	vshll.u32 v3, $0x3  }
0x159: {  	v3 =	vand.u32 $0x7, v3;
	v4 =	vand.u32 $0xFFFFFFC0, v62  }
0x15a: {  	v3 =	vor.u32 v3, v4  }
0x15b: {  	v4 =	vperm.xlane v3, v0;
	_ =	sdelay $0x1  }
0x15c: {  	v4 =	vadd.s32 v1, v4;
	_ =	sdelay $0x3  }
0x15d: {  	s21 =	simm.s32 $0x8100  }
0x15e: {  	[tilespmem:s21], [sflag:$0x1] =	stream.indirect_vreg.gather [hbm4b:s2+s3], $0x80, v4, vm0, $0xb8;
	[tilespmem:$0x18100] =	vst v63  }
0x15f: {  	s22 =	simm.s32 $0x8900;
	v3 =	vperm.xlane v3, v2  }
0x160: {  	[tilespmem:s22], [sflag:$0x1] =	stream.indirect_vreg.gather [hbm4b:s5+s3], $0x80, v4, vm0, $0xb8;
	[tilespmem:$0x18100] =	vst v63  }
0x161: {  	s20 =	simm.s32 $0x9100;
	v3 =	vadd.s32 v1, v3  }
0x162: {  	[tilespmem:s20], [sflag:$0x1] =	stream.indirect_vreg.gather [hbm4b:s6+s3], $0x80, v4, vm0, $0xb8;
	[tilespmem:$0x18100] =	vst v63  }
0x163: {  	s21 =	simm.s32 $0x9900  }
0x164: {  	[tilespmem:s21], [sflag:$0x1] =	stream.indirect_vreg.gather [hbm4b:s7+s3], $0x80, v4, vm0, $0xb8;
	[tilespmem:$0x18100] =	vst v63  }
0x165: {  	s22 =	simm.s32 $0xA100  }
0x166: {  	[tilespmem:s22], [sflag:$0x1] =	stream.indirect_vreg.gather [hbm4b:s2+s3], $0x80, v3, vm0, $0xb8;
	[tilespmem:$0x18100] =	vst v63  }
0x167: {  	s20 =	simm.s32 $0xA900  }
0x168: {  	[tilespmem:s20], [sflag:$0x1] =	stream.indirect_vreg.gather [hbm4b:s5+s3], $0x80, v3, vm0, $0xb8;
	[tilespmem:$0x18100] =	vst v63  }
0x169: {  	s21 =	simm.s32 $0xB100  }
0x16a: {  	[tilespmem:s21], [sflag:$0x1] =	stream.indirect_vreg.gather [hbm4b:s6+s3], $0x80, v3, vm0, $0xb8;
	[tilespmem:$0x18100] =	vst v63  }
0x16b: {  	s22 =	simm.s32 $0xB900  }
0x16c: {  	[tilespmem:s22], [sflag:$0x1] =	stream.indirect_vreg.gather [hbm4b:s7+s3], $0x80, v3, vm0, $0xb8;
	[tilespmem:$0x18100] =	vst v63  }
0x16d: {  	v3 =	vld [tilespmem:$0xF0];
	_ =	sdelay $0x4  }
0x16e: {  	v63 =	vshll.u32 v3, $0x3  }
0x16f: {  	v3 =	vand.u32 $0x7, v3;
	v4 =	vand.u32 $0xFFFFFFC0, v63  }
0x170: {  	v3 =	vor.u32 v3, v4  }
0x171: {  	v4 =	vperm.xlane v3, v0;
	_ =	sdelay $0x1  }
0x172: {  	v4 =	vadd.s32 v1, v4;
	_ =	sdelay $0x3  }
0x173: {  	s20 =	simm.s32 $0xC100  }
0x174: {  	[tilespmem:s20], [sflag:$0x1] =	stream.indirect_vreg.gather [hbm4b:s2+s3], $0x80, v4, vm0, $0xb8;
	[tilespmem:$0x18100] =	vst v63  }
0x175: {  	s21 =	simm.s32 $0xC900;
	v3 =	vperm.xlane v3, v2  }
0x176: {  	[tilespmem:s21], [sflag:$0x1] =	stream.indirect_vreg.gather [hbm4b:s5+s3], $0x80, v4, vm0, $0xb8;
	[tilespmem:$0x18100] =	vst v63  }
0x177: {  	s22 =	simm.s32 $0xD100;
	v3 =	vadd.s32 v1, v3  }
0x178: {  	[tilespmem:s22], [sflag:$0x1] =	stream.indirect_vreg.gather [hbm4b:s6+s3], $0x80, v4, vm0, $0xb8;
	[tilespmem:$0x18100] =	vst v63  }
0x179: {  	s20 =	simm.s32 $0xD900  }
0x17a: {  	[tilespmem:s20], [sflag:$0x1] =	stream.indirect_vreg.gather [hbm4b:s7+s3], $0x80, v4, vm0, $0xb8;
	[tilespmem:$0x18100] =	vst v63  }
0x17b: {  	s21 =	simm.s32 $0xE100  }
0x17c: {  	[tilespmem:s21], [sflag:$0x1] =	stream.indirect_vreg.gather [hbm4b:s2+s3], $0x80, v3, vm0, $0xb8;
	[tilespmem:$0x18100] =	vst v63  }
0x17d: {  	s22 =	simm.s32 $0xE900  }
0x17e: {  	[tilespmem:s22], [sflag:$0x1] =	stream.indirect_vreg.gather [hbm4b:s5+s3], $0x80, v3, vm0, $0xb8;
	[tilespmem:$0x18100] =	vst v63  }
0x17f: {  	s20 =	simm.s32 $0xF100  }
0x180: {  	[tilespmem:s20], [sflag:$0x1] =	stream.indirect_vreg.gather [hbm4b:s6+s3], $0x80, v3, vm0, $0xb8;
	[tilespmem:$0x18100] =	vst v63  }
0x181: {  	s21 =	simm.s32 $0xF900  }
0x182: {  	[tilespmem:s21], [sflag:$0x1] =	stream.indirect_vreg.gather [hbm4b:s7+s3], $0x80, v3, vm0, $0xb8;
	[tilespmem:$0x18100] =	vst v63  }
0x183: {  	_ =	swait.ge [sflag:s18], $0x10000  }
0x184: {  	p0 =	sne.s32 s8, $0x1;
	[sflag:s18] =	ssyncset.done $0x0  }
.Ltmp0:
0x185: {  	s22 =	rddreg [dreg:$0x6];
	[sflag:s18] =	ssyncadd.s32 $0xFFFF0000;
	(pc) =	sbr.rel @p0 .LBB2_1-.Ltmp0, $4  }
0x186: {  	[hbm4b:s22+s3] =	stream.linear.scatter [tilespmem:s0], [sflag:$0x2], $0x10000, $0x38;
	[tilespmem:$0x18100] =	vst v63  }
0x187: {  	_ =	swait.ge [sflag:s19], $0x10000  }
0x188: {  	[sflag:s19] =	ssyncset.done $0x0  }
0x189: {  	s8 =	sadd.s32 $0xFFFFFFFF, s8;
	[sflag:s19] =	ssyncadd.s32 $0xFFFF0000  }
0x18a: {  	_ =	sfence.sel $0x180000  }
0x18b: {  	[bflag:$0x0] =	sbarrier.arrive $0xFFFF  }
0x18c: {  	_ =	strace $0x90000047  }
0x18d: {  	s0 =	stileid.u32;
	[bflag:$0x2] =	sbarrier.arrive $0xFFFF  }
0x18e: {  	p0 =	sne.s32 s0, $0x0;
	s0 =	rddreg [dreg:$0x3]  }
0x18f: {  	s0 =	sadd.s32 @!p0 $0x100000, s0  }
0x190: {  	[sflag:s0] =	ssyncadd.tile.s32 @!p0 $0x1;
	_ =	shalt  }
.Lfunc_end2:
_tile_overlayer_lowered:
.L_overlay_start_2:
0x191: {  	(tag) =	ssettag $0x2  }
0x192: {  	s0 =	rddreg [dreg:$0x0];
	s2 =	stileid.u32  }
0x193: {  	s1 =	rddreg [dreg:$0x1];
	p0 =	sne.s32 s2, $0x0  }
0x194: {  	s3 =	rddreg [dreg:$0x2];
	[bflag:$0x3] =	sbarrier.arrive $0xFFFF;
	s2 =	simm.s32 @!p0 $0x1C03  }
0x195: {  	[timem:s3], [sflag:s2] =	dma.local @!p0 [hbm:s0], s1  }
0x196: {  	s0 =	simm.s32 @!p0 $0x3  }
0x197: {  	_ =	swait.ge @!p0 [sflag:s0], s1  }
0x198: {  	s1 =	ssub.s32 @!p0 $0x0, s1;
	[sflag:s0] =	ssyncset.done @!p0 $0x0  }
0x199: {  	[sflag:s0] =	ssyncadd.s32 @!p0 s1  }
0x19a: {  	[bflag:$0x3] =	sbarrier.arrive $0xFFFF  }
0x19b: {  	_ =	shalt  }

</sc_bundles>
